<compile_context>
chip_gen: v7x
topology: tpu7x:2x2x1
jax: 0.10.2.dev20260603
libtpu: 0.0.44.dev20260713+nightly
codegen_flags: <defaults>
</compile_context>

<pallas_src>
import functools

import jax
import jax.numpy as jnp
from jax import lax
from jax.experimental import pallas as pl
from jax.experimental.pallas import tpu as pltpu
from jax.experimental.pallas import tpu_sc as plsc

N_NODES = 10000
DIM = 128

NC = 2
NS = 16
NW = NC * NS

B = 4096
L = 50
N = B * L
PER_W = N // NW
G = 80
NBUF = 4
STEPS = PER_W // (G * NBUF)


@functools.cache
def _make_sc_gather():
    mesh = plsc.VectorSubcoreMesh(
        core_axis_name="c", subcore_axis_name="s", num_cores=NC, num_subcores=NS
    )

    @functools.partial(
        pl.kernel,
        out_type=jax.ShapeDtypeStruct((N, DIM), jnp.float32),
        mesh=mesh,
        scratch_types=[
            pltpu.VMEM((PER_W,), jnp.int32),
            [pltpu.VMEM((G, DIM), jnp.float32)] * NBUF,
            pltpu.VMEM_SHARED((N_NODES, DIM), jnp.float32),
            [pltpu.SemaphoreType.DMA] * NBUF,
            [pltpu.SemaphoreType.DMA] * NBUF,
        ],
        compiler_params=pltpu.CompilerParams(use_tc_tiling_on_sc=True),
    )
    def k(idx_hbm, table_hbm, out2d, idx_v, bufs, table_sh, gsems, wsems):
        wid = lax.axis_index("s") * NC + lax.axis_index("c")

        sid = lax.axis_index("s")

        @pl.when(sid < 10)
        def _stage():
            pltpu.sync_copy(
                table_hbm.at[pl.ds(sid * 1000, 1000)],
                table_sh.at[pl.ds(sid * 1000, 1000)],
            )

        pltpu.sync_copy(idx_hbm.at[pl.ds(wid * PER_W, PER_W)], idx_v)
        plsc.subcore_barrier()
        base = wid * PER_W

        @pl.loop(0, STEPS)
        def _step(step):
            for sl in range(NBUF):
                @pl.when(step > 0)
                def _wait_write(sl=sl):
                    pltpu.make_async_copy(
                        bufs[sl], out2d.at[pl.ds(base, G)], wsems[sl]
                    ).wait()

                pltpu.async_copy(
                    table_sh.at[idx_v.at[pl.ds((step * NBUF + sl) * G, G)]],
                    bufs[sl],
                    gsems[sl],
                )
            for sl in range(NBUF):
                g = step * NBUF + sl
                pltpu.make_async_copy(
                    table_sh.at[idx_v.at[pl.ds(g * G, G)]], bufs[sl], gsems[sl]
                ).wait()
                pltpu.async_copy(
                    bufs[sl], out2d.at[pl.ds(base + g * G, G)], wsems[sl]
                )

        for sl in range(NBUF):
            pltpu.make_async_copy(
                bufs[sl], out2d.at[pl.ds(base, G)], wsems[sl]
            ).wait()

    return k


@jax.jit
def kernel(indices, table):
    idx_t = indices.astype(jnp.int32).T.reshape(-1)
    out_t = _make_sc_gather()(idx_t, table)
    return out_t.reshape(L, B, DIM).transpose(1, 0, 2)

# --- scband reference (transcript-rebuilt; emitter-appended) ---
"""Pipeline reference for scband-embedding-79121887527629 (READ-ONLY COPY).

The authoritative reference and input builder live on the scoring server;
editing this copy changes nothing except your own understanding.
"""

import jax, jax.numpy as jnp
import numpy as np

N_NODES = 10000
DIM = 128

def setup_inputs(seed: int = 0) -> dict:
    key = jax.random.key(seed)
    k_table, k_idx = jax.random.split(key)
    # Learned embedding table, initialized as in the module: randn(n_nodes, dim) * 0.1
    table = jax.random.normal(k_table, (N_NODES, DIM), dtype=jnp.float32) * 0.1
    # Lookup indices, in-range [0, n_nodes)
    indices = jax.random.randint(k_idx, (4096, 50), 0, N_NODES, dtype=jnp.int64 if jax.config.jax_enable_x64 else jnp.int32)
    return {"indices": indices, "table": table}

def reference(indices, table):
    # Embedding lookup: gather rows of the learned table by index
    out = jnp.take(table, indices, axis=0)  # [B, L, dim]
    return out

if __name__ == "__main__":
    import jax
    _d = setup_inputs()
    print(jax.jit(kernel)(*tuple(_d.values())))

</pallas_src>

<mosaic_0001>
#map = affine_map<(d0, d1) -> (0)>
#map1 = affine_map<(d0, d1) -> (0, 0)>
module attributes {stable_mosaic.version = 14 : i64} {
  func.func @k(%arg0: i32, %arg1: i32, %arg2: memref<204800xi32, #tpu.memory_space<hbm>>, %arg3: memref<10000x128xf32, #tpu.memory_space<hbm>>, %arg4: memref<204800x128xf32, #tpu.memory_space<hbm>>, %arg5: memref<6400xi32, #tpu.memory_space<vmem>>, %arg6: memref<80x128xf32, #tpu.memory_space<vmem>>, %arg7: memref<80x128xf32, #tpu.memory_space<vmem>>, %arg8: memref<80x128xf32, #tpu.memory_space<vmem>>, %arg9: memref<80x128xf32, #tpu.memory_space<vmem>>, %arg10: memref<10000x128xf32, #tpu.memory_space<vmem_shared>>, %arg11: memref<!tpu.dma_semaphore, #tpu.memory_space<semaphore_mem>>, %arg12: memref<!tpu.dma_semaphore, #tpu.memory_space<semaphore_mem>>, %arg13: memref<!tpu.dma_semaphore, #tpu.memory_space<semaphore_mem>>, %arg14: memref<!tpu.dma_semaphore, #tpu.memory_space<semaphore_mem>>, %arg15: memref<!tpu.dma_semaphore, #tpu.memory_space<semaphore_mem>>, %arg16: memref<!tpu.dma_semaphore, #tpu.memory_space<semaphore_mem>>, %arg17: memref<!tpu.dma_semaphore, #tpu.memory_space<semaphore_mem>>, %arg18: memref<!tpu.dma_semaphore, #tpu.memory_space<semaphore_mem>>) attributes {dimension_semantics = [#tpu.dimension_semantics<core_parallel>, #tpu.dimension_semantics<subcore_parallel>], iteration_bounds = array<i64: 2, 16>, scalar_prefetch = 0 : i64, scratch_operands = 14 : i64, tpu.core_type = #tpu.core_type<sc_vector_subcore>, window_params = [{transform_indices = #map}, {transform_indices = #map1}, {transform_indices = #map1}]} {
    %mul3A = arith.constant 2 : i32
    %mul3A_0 = arith.muli %arg1, %mul3A : i32
    %add3A = arith.addi %mul3A_0, %arg0 : i32
    %lt3A = arith.constant 10 : i32
    %lt3A_1 = arith.cmpi slt, %arg1, %lt3A : i32
    %convert_element_type3A = arith.extui %lt3A_1 : i1 to i32
    %cond3A = arith.constant 0 : i32
    %cond3A_2 = arith.cmpi ne, %convert_element_type3A, %cond3A : i32
    scf.if %cond3A_2 {
      %mul3A_26 = arith.constant 1000 : i32
      %mul3A_27 = arith.muli %arg1, %mul3A_26 : i32
      %mul3A_28 = arith.constant 1000 : i32
      %mul3A_29 = arith.muli %arg1, %mul3A_28 : i32
      "tpu.region"() ({
        %run_scoped3A = tpu.sem_alloc : memref<!tpu.dma_semaphore, #tpu.memory_space<semaphore_mem>>
        %dma_start3A = arith.constant 0 : i32
        %dma_start3A_30 = tpu.memref_slice %arg10[%mul3A_29, %dma_start3A] : memref<10000x128xf32, #tpu.memory_space<vmem_shared>> -> memref<1000x128xf32, #tpu.memory_space<vmem_shared>>
        %dma_start3A_31 = arith.constant 0 : i32
        %dma_start3A_32 = tpu.memref_slice %arg3[%mul3A_27, %dma_start3A_31] : memref<10000x128xf32, #tpu.memory_space<hbm>> -> memref<1000x128xf32, #tpu.memory_space<hbm>>
        tpu.enqueue_dma source(%dma_start3A_32 : memref<1000x128xf32, #tpu.memory_space<hbm>>) target(%dma_start3A_30 : memref<1000x128xf32, #tpu.memory_space<vmem_shared>>) target_semaphore(%run_scoped3A : memref<!tpu.dma_semaphore, #tpu.memory_space<semaphore_mem>>)
        %dma_wait3A_33 = arith.constant 0 : i32
        %dma_wait3A_34 = tpu.memref_slice %arg10[%mul3A_29, %dma_wait3A_33] : memref<10000x128xf32, #tpu.memory_space<vmem_shared>> -> memref<1000x128xf32, #tpu.memory_space<vmem_shared>>
        %dma_wait3A_35 = arith.constant 0 : i32
        %dma_wait3A_36 = tpu.memref_slice %arg3[%mul3A_27, %dma_wait3A_35] : memref<10000x128xf32, #tpu.memory_space<hbm>> -> memref<1000x128xf32, #tpu.memory_space<hbm>>
        tpu.wait_dma2 semaphore(%run_scoped3A : memref<!tpu.dma_semaphore, #tpu.memory_space<semaphore_mem>>) src(%dma_wait3A_36 : memref<1000x128xf32, #tpu.memory_space<hbm>>) dst(%dma_wait3A_34 : memref<1000x128xf32, #tpu.memory_space<vmem_shared>>)
        tpu.yield
      }) : () -> ()
    } else {
    }
    %mul3A_3 = arith.constant 6400 : i32
    %mul3A_4 = arith.muli %add3A, %mul3A_3 : i32
    "tpu.region"() ({
      %run_scoped3A = tpu.sem_alloc : memref<!tpu.dma_semaphore, #tpu.memory_space<semaphore_mem>>
      %dma_start3A = tpu.memref_slice %arg2[%mul3A_4] : memref<204800xi32, #tpu.memory_space<hbm>> -> memref<6400xi32, #tpu.memory_space<hbm>>
      %dma_start3A_26 = tpu.memref_slice %arg2[%mul3A_4] : memref<204800xi32, #tpu.memory_space<hbm>> -> memref<6400xi32, #tpu.memory_space<hbm>>
      tpu.enqueue_dma source(%dma_start3A_26 : memref<6400xi32, #tpu.memory_space<hbm>>) target(%arg5 : memref<6400xi32, #tpu.memory_space<vmem>>) target_semaphore(%run_scoped3A : memref<!tpu.dma_semaphore, #tpu.memory_space<semaphore_mem>>)
      %dma_wait3A_27 = tpu.memref_slice %arg2[%mul3A_4] : memref<204800xi32, #tpu.memory_space<hbm>> -> memref<6400xi32, #tpu.memory_space<hbm>>
      %dma_wait3A_28 = tpu.memref_slice %arg2[%mul3A_4] : memref<204800xi32, #tpu.memory_space<hbm>> -> memref<6400xi32, #tpu.memory_space<hbm>>
      tpu.wait_dma2 semaphore(%run_scoped3A : memref<!tpu.dma_semaphore, #tpu.memory_space<semaphore_mem>>) src(%dma_wait3A_28 : memref<6400xi32, #tpu.memory_space<hbm>>) dst(%arg5 : memref<6400xi32, #tpu.memory_space<vmem>>)
      tpu.yield
    }) : () -> ()
    %barrier3A = arith.constant 0 : index
    tpu.barrier barrier_id(%barrier3A)
    %mul3A_5 = arith.constant 6400 : i32
    %mul3A_6 = arith.muli %add3A, %mul3A_5 : i32
    %scan3A = arith.constant 0 : i32
    %scan3A_7 = arith.constant 20 : i32
    %scan3A_8 = arith.addi %scan3A, %scan3A_7 : i32
    %scan3A_9 = arith.constant 1 : i32
    scf.for %scan3A_26 = %scan3A to %scan3A_8 step %scan3A_9  : i32 {
      %mul3A_27 = arith.constant 1 : i32
      %mul3A_28 = arith.muli %scan3A_26, %mul3A_27 : i32
      %add3A_29 = arith.constant 0 : i32
      %add3A_30 = arith.addi %add3A_29, %mul3A_28 : i32
      %gt3A = arith.constant 0 : i32
      %gt3A_31 = arith.cmpi sgt, %add3A_30, %gt3A : i32
      %convert_element_type3A_32 = arith.extui %gt3A_31 : i1 to i32
      %cond3A_33 = arith.constant 0 : i32
      %cond3A_34 = arith.cmpi ne, %convert_element_type3A_32, %cond3A_33 : i32
      scf.if %cond3A_34 {
        %dma_wait3A_157 = arith.constant 0 : i32
        %dma_wait3A_158 = tpu.memref_slice %arg4[%mul3A_6, %dma_wait3A_157] : memref<204800x128xf32, #tpu.memory_space<hbm>> -> memref<80x128xf32, #tpu.memory_space<hbm>>
        %dma_wait3A_159 = arith.constant 0 : i32
        %dma_wait3A_160 = tpu.memref_slice %arg4[%mul3A_6, %dma_wait3A_159] : memref<204800x128xf32, #tpu.memory_space<hbm>> -> memref<80x128xf32, #tpu.memory_space<hbm>>
        tpu.wait_dma2 semaphore(%arg15 : memref<!tpu.dma_semaphore, #tpu.memory_space<semaphore_mem>>) src(%arg6 : memref<80x128xf32, #tpu.memory_space<vmem>>) dst(%dma_wait3A_160 : memref<80x128xf32, #tpu.memory_space<hbm>>)
      } else {
      }
      %mul3A_35 = arith.constant 4 : i32
      %mul3A_36 = arith.muli %add3A_30, %mul3A_35 : i32
      %add3A_37 = arith.constant 0 : i32
      %add3A_38 = arith.addi %mul3A_36, %add3A_37 : i32
      %mul3A_39 = arith.constant 80 : i32
      %mul3A_40 = arith.muli %add3A_38, %mul3A_39 : i32
      %dma_start3A = tpu.memref_slice %arg5[%mul3A_40] : memref<6400xi32, #tpu.memory_space<vmem>> -> memref<80xi32, #tpu.memory_space<vmem>>
      %dma_start3A_41 = arith.constant 0 : i32
      %dma_start3A_42 = arith.constant 0 : i32
      %dma_start3A_43 = tpu.memref_slice %arg10[%dma_start3A_41, %dma_start3A_42] : memref<10000x128xf32, #tpu.memory_space<vmem_shared>> -> memref<10000x128xf32, #tpu.memory_space<vmem_shared>>
      tpu.enqueue_indirect_dma source(%dma_start3A_43 : memref<10000x128xf32, #tpu.memory_space<vmem_shared>>) target(%arg6 : memref<80x128xf32, #tpu.memory_space<vmem>>) offsets(%dma_start3A : memref<80xi32, #tpu.memory_space<vmem>>) semaphore(%arg11 : memref<!tpu.dma_semaphore, #tpu.memory_space<semaphore_mem>>)
      %gt3A_44 = arith.constant 0 : i32
      %gt3A_45 = arith.cmpi sgt, %add3A_30, %gt3A_44 : i32
      %convert_element_type3A_46 = arith.extui %gt3A_45 : i1 to i32
      %cond3A_47 = arith.constant 0 : i32
      %cond3A_48 = arith.cmpi ne, %convert_element_type3A_46, %cond3A_47 : i32
      scf.if %cond3A_48 {
        %dma_wait3A_157 = arith.constant 0 : i32
        %dma_wait3A_158 = tpu.memref_slice %arg4[%mul3A_6, %dma_wait3A_157] : memref<204800x128xf32, #tpu.memory_space<hbm>> -> memref<80x128xf32, #tpu.memory_space<hbm>>
        %dma_wait3A_159 = arith.constant 0 : i32
        %dma_wait3A_160 = tpu.memref_slice %arg4[%mul3A_6, %dma_wait3A_159] : memref<204800x128xf32, #tpu.memory_space<hbm>> -> memref<80x128xf32, #tpu.memory_space<hbm>>
        tpu.wait_dma2 semaphore(%arg16 : memref<!tpu.dma_semaphore, #tpu.memory_space<semaphore_mem>>) src(%arg7 : memref<80x128xf32, #tpu.memory_space<vmem>>) dst(%dma_wait3A_160 : memref<80x128xf32, #tpu.memory_space<hbm>>)
      } else {
      }
      %mul3A_49 = arith.constant 4 : i32
      %mul3A_50 = arith.muli %add3A_30, %mul3A_49 : i32
      %add3A_51 = arith.constant 1 : i32
      %add3A_52 = arith.addi %mul3A_50, %add3A_51 : i32
      %mul3A_53 = arith.constant 80 : i32
      %mul3A_54 = arith.muli %add3A_52, %mul3A_53 : i32
      %dma_start3A_55 = tpu.memref_slice %arg5[%mul3A_54] : memref<6400xi32, #tpu.memory_space<vmem>> -> memref<80xi32, #tpu.memory_space<vmem>>
      %dma_start3A_56 = arith.constant 0 : i32
      %dma_start3A_57 = arith.constant 0 : i32
      %dma_start3A_58 = tpu.memref_slice %arg10[%dma_start3A_56, %dma_start3A_57] : memref<10000x128xf32, #tpu.memory_space<vmem_shared>> -> memref<10000x128xf32, #tpu.memory_space<vmem_shared>>
      tpu.enqueue_indirect_dma source(%dma_start3A_58 : memref<10000x128xf32, #tpu.memory_space<vmem_shared>>) target(%arg7 : memref<80x128xf32, #tpu.memory_space<vmem>>) offsets(%dma_start3A_55 : memref<80xi32, #tpu.memory_space<vmem>>) semaphore(%arg12 : memref<!tpu.dma_semaphore, #tpu.memory_space<semaphore_mem>>)
      %gt3A_59 = arith.constant 0 : i32
      %gt3A_60 = arith.cmpi sgt, %add3A_30, %gt3A_59 : i32
      %convert_element_type3A_61 = arith.extui %gt3A_60 : i1 to i32
      %cond3A_62 = arith.constant 0 : i32
      %cond3A_63 = arith.cmpi ne, %convert_element_type3A_61, %cond3A_62 : i32
      scf.if %cond3A_63 {
        %dma_wait3A_157 = arith.constant 0 : i32
        %dma_wait3A_158 = tpu.memref_slice %arg4[%mul3A_6, %dma_wait3A_157] : memref<204800x128xf32, #tpu.memory_space<hbm>> -> memref<80x128xf32, #tpu.memory_space<hbm>>
        %dma_wait3A_159 = arith.constant 0 : i32
        %dma_wait3A_160 = tpu.memref_slice %arg4[%mul3A_6, %dma_wait3A_159] : memref<204800x128xf32, #tpu.memory_space<hbm>> -> memref<80x128xf32, #tpu.memory_space<hbm>>
        tpu.wait_dma2 semaphore(%arg17 : memref<!tpu.dma_semaphore, #tpu.memory_space<semaphore_mem>>) src(%arg8 : memref<80x128xf32, #tpu.memory_space<vmem>>) dst(%dma_wait3A_160 : memref<80x128xf32, #tpu.memory_space<hbm>>)
      } else {
      }
      %mul3A_64 = arith.constant 4 : i32
      %mul3A_65 = arith.muli %add3A_30, %mul3A_64 : i32
      %add3A_66 = arith.constant 2 : i32
      %add3A_67 = arith.addi %mul3A_65, %add3A_66 : i32
      %mul3A_68 = arith.constant 80 : i32
      %mul3A_69 = arith.muli %add3A_67, %mul3A_68 : i32
      %dma_start3A_70 = tpu.memref_slice %arg5[%mul3A_69] : memref<6400xi32, #tpu.memory_space<vmem>> -> memref<80xi32, #tpu.memory_space<vmem>>
      %dma_start3A_71 = arith.constant 0 : i32
      %dma_start3A_72 = arith.constant 0 : i32
      %dma_start3A_73 = tpu.memref_slice %arg10[%dma_start3A_71, %dma_start3A_72] : memref<10000x128xf32, #tpu.memory_space<vmem_shared>> -> memref<10000x128xf32, #tpu.memory_space<vmem_shared>>
      tpu.enqueue_indirect_dma source(%dma_start3A_73 : memref<10000x128xf32, #tpu.memory_space<vmem_shared>>) target(%arg8 : memref<80x128xf32, #tpu.memory_space<vmem>>) offsets(%dma_start3A_70 : memref<80xi32, #tpu.memory_space<vmem>>) semaphore(%arg13 : memref<!tpu.dma_semaphore, #tpu.memory_space<semaphore_mem>>)
      %gt3A_74 = arith.constant 0 : i32
      %gt3A_75 = arith.cmpi sgt, %add3A_30, %gt3A_74 : i32
      %convert_element_type3A_76 = arith.extui %gt3A_75 : i1 to i32
      %cond3A_77 = arith.constant 0 : i32
      %cond3A_78 = arith.cmpi ne, %convert_element_type3A_76, %cond3A_77 : i32
      scf.if %cond3A_78 {
        %dma_wait3A_157 = arith.constant 0 : i32
        %dma_wait3A_158 = tpu.memref_slice %arg4[%mul3A_6, %dma_wait3A_157] : memref<204800x128xf32, #tpu.memory_space<hbm>> -> memref<80x128xf32, #tpu.memory_space<hbm>>
        %dma_wait3A_159 = arith.constant 0 : i32
        %dma_wait3A_160 = tpu.memref_slice %arg4[%mul3A_6, %dma_wait3A_159] : memref<204800x128xf32, #tpu.memory_space<hbm>> -> memref<80x128xf32, #tpu.memory_space<hbm>>
        tpu.wait_dma2 semaphore(%arg18 : memref<!tpu.dma_semaphore, #tpu.memory_space<semaphore_mem>>) src(%arg9 : memref<80x128xf32, #tpu.memory_space<vmem>>) dst(%dma_wait3A_160 : memref<80x128xf32, #tpu.memory_space<hbm>>)
      } else {
      }
      %mul3A_79 = arith.constant 4 : i32
      %mul3A_80 = arith.muli %add3A_30, %mul3A_79 : i32
      %add3A_81 = arith.constant 3 : i32
      %add3A_82 = arith.addi %mul3A_80, %add3A_81 : i32
      %mul3A_83 = arith.constant 80 : i32
      %mul3A_84 = arith.muli %add3A_82, %mul3A_83 : i32
      %dma_start3A_85 = tpu.memref_slice %arg5[%mul3A_84] : memref<6400xi32, #tpu.memory_space<vmem>> -> memref<80xi32, #tpu.memory_space<vmem>>
      %dma_start3A_86 = arith.constant 0 : i32
      %dma_start3A_87 = arith.constant 0 : i32
      %dma_start3A_88 = tpu.memref_slice %arg10[%dma_start3A_86, %dma_start3A_87] : memref<10000x128xf32, #tpu.memory_space<vmem_shared>> -> memref<10000x128xf32, #tpu.memory_space<vmem_shared>>
      tpu.enqueue_indirect_dma source(%dma_start3A_88 : memref<10000x128xf32, #tpu.memory_space<vmem_shared>>) target(%arg9 : memref<80x128xf32, #tpu.memory_space<vmem>>) offsets(%dma_start3A_85 : memref<80xi32, #tpu.memory_space<vmem>>) semaphore(%arg14 : memref<!tpu.dma_semaphore, #tpu.memory_space<semaphore_mem>>)
      %mul3A_89 = arith.constant 4 : i32
      %mul3A_90 = arith.muli %add3A_30, %mul3A_89 : i32
      %add3A_91 = arith.constant 0 : i32
      %add3A_92 = arith.addi %mul3A_90, %add3A_91 : i32
      %mul3A_93 = arith.constant 80 : i32
      %mul3A_94 = arith.muli %add3A_92, %mul3A_93 : i32
      %dma_wait3A_95 = tpu.memref_slice %arg5[%mul3A_94] : memref<6400xi32, #tpu.memory_space<vmem>> -> memref<80xi32, #tpu.memory_space<vmem>>
      %dma_wait3A_96 = arith.constant 0 : i32
      %dma_wait3A_97 = arith.constant 0 : i32
      %dma_wait3A_98 = tpu.memref_slice %arg10[%dma_wait3A_96, %dma_wait3A_97] : memref<10000x128xf32, #tpu.memory_space<vmem_shared>> -> memref<10000x128xf32, #tpu.memory_space<vmem_shared>>
      tpu.wait_indirect_dma semaphore(%arg11 : memref<!tpu.dma_semaphore, #tpu.memory_space<semaphore_mem>>) src(%dma_wait3A_98 : memref<10000x128xf32, #tpu.memory_space<vmem_shared>>) dst(%arg6 : memref<80x128xf32, #tpu.memory_space<vmem>>)
      %mul3A_99 = arith.constant 80 : i32
      %mul3A_100 = arith.muli %add3A_92, %mul3A_99 : i32
      %add3A_101 = arith.addi %mul3A_6, %mul3A_100 : i32
      %dma_start3A_102 = arith.constant 0 : i32
      %dma_start3A_103 = tpu.memref_slice %arg4[%add3A_101, %dma_start3A_102] : memref<204800x128xf32, #tpu.memory_space<hbm>> -> memref<80x128xf32, #tpu.memory_space<hbm>>
      %dma_start3A_104 = arith.constant 0 : i32
      %dma_start3A_105 = tpu.memref_slice %arg4[%add3A_101, %dma_start3A_104] : memref<204800x128xf32, #tpu.memory_space<hbm>> -> memref<80x128xf32, #tpu.memory_space<hbm>>
      tpu.enqueue_dma source(%arg6 : memref<80x128xf32, #tpu.memory_space<vmem>>) target(%dma_start3A_105 : memref<80x128xf32, #tpu.memory_space<hbm>>) target_semaphore(%arg15 : memref<!tpu.dma_semaphore, #tpu.memory_space<semaphore_mem>>)
      %mul3A_106 = arith.constant 4 : i32
      %mul3A_107 = arith.muli %add3A_30, %mul3A_106 : i32
      %add3A_108 = arith.constant 1 : i32
      %add3A_109 = arith.addi %mul3A_107, %add3A_108 : i32
      %mul3A_110 = arith.constant 80 : i32
      %mul3A_111 = arith.muli %add3A_109, %mul3A_110 : i32
      %dma_wait3A_112 = tpu.memref_slice %arg5[%mul3A_111] : memref<6400xi32, #tpu.memory_space<vmem>> -> memref<80xi32, #tpu.memory_space<vmem>>
      %dma_wait3A_113 = arith.constant 0 : i32
      %dma_wait3A_114 = arith.constant 0 : i32
      %dma_wait3A_115 = tpu.memref_slice %arg10[%dma_wait3A_113, %dma_wait3A_114] : memref<10000x128xf32, #tpu.memory_space<vmem_shared>> -> memref<10000x128xf32, #tpu.memory_space<vmem_shared>>
      tpu.wait_indirect_dma semaphore(%arg12 : memref<!tpu.dma_semaphore, #tpu.memory_space<semaphore_mem>>) src(%dma_wait3A_115 : memref<10000x128xf32, #tpu.memory_space<vmem_shared>>) dst(%arg7 : memref<80x128xf32, #tpu.memory_space<vmem>>)
      %mul3A_116 = arith.constant 80 : i32
      %mul3A_117 = arith.muli %add3A_109, %mul3A_116 : i32
      %add3A_118 = arith.addi %mul3A_6, %mul3A_117 : i32
      %dma_start3A_119 = arith.constant 0 : i32
      %dma_start3A_120 = tpu.memref_slice %arg4[%add3A_118, %dma_start3A_119] : memref<204800x128xf32, #tpu.memory_space<hbm>> -> memref<80x128xf32, #tpu.memory_space<hbm>>
      %dma_start3A_121 = arith.constant 0 : i32
      %dma_start3A_122 = tpu.memref_slice %arg4[%add3A_118, %dma_start3A_121] : memref<204800x128xf32, #tpu.memory_space<hbm>> -> memref<80x128xf32, #tpu.memory_space<hbm>>
      tpu.enqueue_dma source(%arg7 : memref<80x128xf32, #tpu.memory_space<vmem>>) target(%dma_start3A_122 : memref<80x128xf32, #tpu.memory_space<hbm>>) target_semaphore(%arg16 : memref<!tpu.dma_semaphore, #tpu.memory_space<semaphore_mem>>)
      %mul3A_123 = arith.constant 4 : i32
      %mul3A_124 = arith.muli %add3A_30, %mul3A_123 : i32
      %add3A_125 = arith.constant 2 : i32
      %add3A_126 = arith.addi %mul3A_124, %add3A_125 : i32
      %mul3A_127 = arith.constant 80 : i32
      %mul3A_128 = arith.muli %add3A_126, %mul3A_127 : i32
      %dma_wait3A_129 = tpu.memref_slice %arg5[%mul3A_128] : memref<6400xi32, #tpu.memory_space<vmem>> -> memref<80xi32, #tpu.memory_space<vmem>>
      %dma_wait3A_130 = arith.constant 0 : i32
      %dma_wait3A_131 = arith.constant 0 : i32
      %dma_wait3A_132 = tpu.memref_slice %arg10[%dma_wait3A_130, %dma_wait3A_131] : memref<10000x128xf32, #tpu.memory_space<vmem_shared>> -> memref<10000x128xf32, #tpu.memory_space<vmem_shared>>
      tpu.wait_indirect_dma semaphore(%arg13 : memref<!tpu.dma_semaphore, #tpu.memory_space<semaphore_mem>>) src(%dma_wait3A_132 : memref<10000x128xf32, #tpu.memory_space<vmem_shared>>) dst(%arg8 : memref<80x128xf32, #tpu.memory_space<vmem>>)
      %mul3A_133 = arith.constant 80 : i32
      %mul3A_134 = arith.muli %add3A_126, %mul3A_133 : i32
      %add3A_135 = arith.addi %mul3A_6, %mul3A_134 : i32
      %dma_start3A_136 = arith.constant 0 : i32
      %dma_start3A_137 = tpu.memref_slice %arg4[%add3A_135, %dma_start3A_136] : memref<204800x128xf32, #tpu.memory_space<hbm>> -> memref<80x128xf32, #tpu.memory_space<hbm>>
      %dma_start3A_138 = arith.constant 0 : i32
      %dma_start3A_139 = tpu.memref_slice %arg4[%add3A_135, %dma_start3A_138] : memref<204800x128xf32, #tpu.memory_space<hbm>> -> memref<80x128xf32, #tpu.memory_space<hbm>>
      tpu.enqueue_dma source(%arg8 : memref<80x128xf32, #tpu.memory_space<vmem>>) target(%dma_start3A_139 : memref<80x128xf32, #tpu.memory_space<hbm>>) target_semaphore(%arg17 : memref<!tpu.dma_semaphore, #tpu.memory_space<semaphore_mem>>)
      %mul3A_140 = arith.constant 4 : i32
      %mul3A_141 = arith.muli %add3A_30, %mul3A_140 : i32
      %add3A_142 = arith.constant 3 : i32
      %add3A_143 = arith.addi %mul3A_141, %add3A_142 : i32
      %mul3A_144 = arith.constant 80 : i32
      %mul3A_145 = arith.muli %add3A_143, %mul3A_144 : i32
      %dma_wait3A_146 = tpu.memref_slice %arg5[%mul3A_145] : memref<6400xi32, #tpu.memory_space<vmem>> -> memref<80xi32, #tpu.memory_space<vmem>>
      %dma_wait3A_147 = arith.constant 0 : i32
      %dma_wait3A_148 = arith.constant 0 : i32
      %dma_wait3A_149 = tpu.memref_slice %arg10[%dma_wait3A_147, %dma_wait3A_148] : memref<10000x128xf32, #tpu.memory_space<vmem_shared>> -> memref<10000x128xf32, #tpu.memory_space<vmem_shared>>
      tpu.wait_indirect_dma semaphore(%arg14 : memref<!tpu.dma_semaphore, #tpu.memory_space<semaphore_mem>>) src(%dma_wait3A_149 : memref<10000x128xf32, #tpu.memory_space<vmem_shared>>) dst(%arg9 : memref<80x128xf32, #tpu.memory_space<vmem>>)
      %mul3A_150 = arith.constant 80 : i32
      %mul3A_151 = arith.muli %add3A_143, %mul3A_150 : i32
      %add3A_152 = arith.addi %mul3A_6, %mul3A_151 : i32
      %dma_start3A_153 = arith.constant 0 : i32
      %dma_start3A_154 = tpu.memref_slice %arg4[%add3A_152, %dma_start3A_153] : memref<204800x128xf32, #tpu.memory_space<hbm>> -> memref<80x128xf32, #tpu.memory_space<hbm>>
      %dma_start3A_155 = arith.constant 0 : i32
      %dma_start3A_156 = tpu.memref_slice %arg4[%add3A_152, %dma_start3A_155] : memref<204800x128xf32, #tpu.memory_space<hbm>> -> memref<80x128xf32, #tpu.memory_space<hbm>>
      tpu.enqueue_dma source(%arg9 : memref<80x128xf32, #tpu.memory_space<vmem>>) target(%dma_start3A_156 : memref<80x128xf32, #tpu.memory_space<hbm>>) target_semaphore(%arg18 : memref<!tpu.dma_semaphore, #tpu.memory_space<semaphore_mem>>)
    }
    %scan3A_10 = arith.constant 20 : i32
    %dma_wait3A = arith.constant 0 : i32
    %dma_wait3A_11 = tpu.memref_slice %arg4[%mul3A_6, %dma_wait3A] : memref<204800x128xf32, #tpu.memory_space<hbm>> -> memref<80x128xf32, #tpu.memory_space<hbm>>
    %dma_wait3A_12 = arith.constant 0 : i32
    %dma_wait3A_13 = tpu.memref_slice %arg4[%mul3A_6, %dma_wait3A_12] : memref<204800x128xf32, #tpu.memory_space<hbm>> -> memref<80x128xf32, #tpu.memory_space<hbm>>
    tpu.wait_dma2 semaphore(%arg15 : memref<!tpu.dma_semaphore, #tpu.memory_space<semaphore_mem>>) src(%arg6 : memref<80x128xf32, #tpu.memory_space<vmem>>) dst(%dma_wait3A_13 : memref<80x128xf32, #tpu.memory_space<hbm>>)
    %dma_wait3A_14 = arith.constant 0 : i32
    %dma_wait3A_15 = tpu.memref_slice %arg4[%mul3A_6, %dma_wait3A_14] : memref<204800x128xf32, #tpu.memory_space<hbm>> -> memref<80x128xf32, #tpu.memory_space<hbm>>
    %dma_wait3A_16 = arith.constant 0 : i32
    %dma_wait3A_17 = tpu.memref_slice %arg4[%mul3A_6, %dma_wait3A_16] : memref<204800x128xf32, #tpu.memory_space<hbm>> -> memref<80x128xf32, #tpu.memory_space<hbm>>
    tpu.wait_dma2 semaphore(%arg16 : memref<!tpu.dma_semaphore, #tpu.memory_space<semaphore_mem>>) src(%arg7 : memref<80x128xf32, #tpu.memory_space<vmem>>) dst(%dma_wait3A_17 : memref<80x128xf32, #tpu.memory_space<hbm>>)
    %dma_wait3A_18 = arith.constant 0 : i32
    %dma_wait3A_19 = tpu.memref_slice %arg4[%mul3A_6, %dma_wait3A_18] : memref<204800x128xf32, #tpu.memory_space<hbm>> -> memref<80x128xf32, #tpu.memory_space<hbm>>
    %dma_wait3A_20 = arith.constant 0 : i32
    %dma_wait3A_21 = tpu.memref_slice %arg4[%mul3A_6, %dma_wait3A_20] : memref<204800x128xf32, #tpu.memory_space<hbm>> -> memref<80x128xf32, #tpu.memory_space<hbm>>
    tpu.wait_dma2 semaphore(%arg17 : memref<!tpu.dma_semaphore, #tpu.memory_space<semaphore_mem>>) src(%arg8 : memref<80x128xf32, #tpu.memory_space<vmem>>) dst(%dma_wait3A_21 : memref<80x128xf32, #tpu.memory_space<hbm>>)
    %dma_wait3A_22 = arith.constant 0 : i32
    %dma_wait3A_23 = tpu.memref_slice %arg4[%mul3A_6, %dma_wait3A_22] : memref<204800x128xf32, #tpu.memory_space<hbm>> -> memref<80x128xf32, #tpu.memory_space<hbm>>
    %dma_wait3A_24 = arith.constant 0 : i32
    %dma_wait3A_25 = tpu.memref_slice %arg4[%mul3A_6, %dma_wait3A_24] : memref<204800x128xf32, #tpu.memory_space<hbm>> -> memref<80x128xf32, #tpu.memory_space<hbm>>
    tpu.wait_dma2 semaphore(%arg18 : memref<!tpu.dma_semaphore, #tpu.memory_space<semaphore_mem>>) src(%arg9 : memref<80x128xf32, #tpu.memory_space<vmem>>) dst(%dma_wait3A_25 : memref<80x128xf32, #tpu.memory_space<hbm>>)
    return
  }
}

</mosaic_0001>

<sc_bundles>
// kernel: kernel.3.cloned.1.call-start
scs
__scs_entry_jumppad:
0x0: {  	(pc) =	sbr.rel $0x88, $3  }
0x1: {  	(tag) =	ssettag $0x0;
	lr =	simm.s32 $0x1  }
0x2: {  	[smem:$0x3F9F] =	sst lr;
	_ =	strace $0xD0000000  }
0x3: {  	_ = 	snop  }
0x4: {  	_ = 	snop  }
0x5: {  	_ = 	snop  }
0x6: {  	_ = 	snop  }
0x7: {  	_ = 	snop  }
__scs_overlays_trampoline_lowered:
0x8: {  	[smem:$0x3FAE] =	sst s0  }
0x9: {  	[smem:$0x3FAF] =	sst s1  }
0xa: {  	[smem:$0x3FB0] =	sst s2  }
0xb: {  	[smem:$0x3FB1] =	sst s3  }
0xc: {  	[smem:$0x3FB2] =	sst s4  }
0xd: {  	[smem:$0x3FB3] =	sst s5  }
0xe: {  	[smem:$0x3FB4] =	sst s6  }
0xf: {  	[smem:$0x3FB5] =	sst s7  }
0x10: {  	[smem:$0x3FB6] =	sst s8  }
0x11: {  	[smem:$0x3FB7] =	sst s9;
	s0 =	simm.s32 @!p0 $0x0  }
0x12: {  	s1 =	sld [smem:$0x3F9D];
	s0 =	simm.s32 @p0 $0x1  }
0x13: {  	[smem:$0x3FB8] =	sst s0;
	s0 =	simm.s32 @!p1 $0x0  }
0x14: {  	s2 =	sld [smem:$0x3F9C];
	s0 =	simm.s32 @p1 $0x1  }
0x15: {  	[smem:$0x3FB9] =	sst s0;
	s0 =	simm.s32 @!p2 $0x0  }
0x16: {  	s3 =	sld [smem:$0x3FDB];
	s0 =	simm.s32 @p2 $0x1  }
0x17: {  	s4 =	simm.s32 $0x1BF5;
	[smem:$0x3FBB] =	sst s0  }
0x18: {  	s0 =	sld [smem:$0x3F9E];
	_ =	swait.ge [sflag:s4], $0x0  }
0x19: {  	s7 =	sld [smem:$0x3F9F]  }
0x1a: {  	s8 =	sadd.s32 $0xFFFFE003, lr  }
0x1b: {  	s9 =	sadd.s32 $0xFFFFFEF7, lr;
	s5 =	simm.s32 $0xFFFFFFFF;
	p2 =	slt.u32 s8, $0xFFFFF086  }
0x1c: {  	p1 =	slt.u32 s9, $0xF7A;
	s5 =	simm.s32 @!p2 $0x0  }
0x1d: {  	s5 =	simm.s32 @p1 $0x1;
	p0 =	seq.s32 s7, s2  }
0x1e: {  	s7 =	smul.u32 @!p0 $0xF7A, s2;
	p2 =	seq.s32 @!p0 s5, $0x0  }
0x1f: {  	s9 =	smul.u32 $0xF7A, s1;
	s8 =	simm.s32 @!p0 $0x1BF5;
	p2 =	por !p2, p0  }
0x20: {  	[sflag:s8] =	ssyncset.s32 @!p0 $0xFFFFF086;
	s6 =	sadd.s32 @!p0 s3, s7;
	s7 =	simm.s32 @!p0 $0x108  }
0x21: {  	s3 =	sadd.s32 s3, s9;
	s6 =	sadd.s32 @!p0 $0x88, s6;
	s7 =	simm.s32 @p2 $0x1082  }
0x22: {  	[simem:s7], [sflag:s8] =	dma.local @!p0 [hbm:s6], $0xF7A  }
0x23: {  	s9 =	sor.u32 $0xD0000000, s2;
	s6 =	simm.s32 $0x108;
	_ =	swait.ge @!p0 [sflag:s8], $0x0  }
0x24: {  	s3 =	sadd.s32 $0x88, s3;
	s6 =	simm.s32 @!p1 $0x1082;
	[sflag:s4] =	ssyncset.s32 $0xFFFFF086  }
0x25: {  	[simem:s6], [sflag:s4] =	dma.local [hbm:s3], $0xF7A  }
0x26: {  	[smem:$0x3F9F] =	sst s1;
	(tag) =	ssettag s2;
	_ =	strace s9  }
0x27: {  	s1 =	sld [smem:$0x3FAF]  }
0x28: {  	s2 =	sld [smem:$0x3FB0]  }
0x29: {  	s4 =	sld [smem:$0x3FB2]  }
0x2a: {  	p0 =	seq.s32 s5, $0x0;
	s5 =	sld [smem:$0x3FB3]  }
0x2b: {  	s6 =	sld [smem:$0x3FB4]  }
0x2c: {  	s7 =	sld [smem:$0x3FB5]  }
0x2d: {  	s3 =	simm.s32 $0x108;
	s8 =	sld [smem:$0x3FB6]  }
0x2e: {  	s3 =	simm.s32 @!p0 $0x1082;
	s9 =	sld [smem:$0x3FB7]  }
0x2f: {  	lr =	sadd.s32 s0, s3;
	s0 =	sld [smem:$0x3FAE]  }
0x30: {  	s3 =	sld [smem:$0x3FB1]  }
0x31: {  	[smem:$0x3FBA] =	sst s10  }
0x32: {  	s10 =	sld [smem:$0x3FB8];
	_ =	sdelay $0x3  }
0x33: {  	p0 =	seq.s32 s10, $0x1;
	s10 =	sld [smem:$0x3FBA];
	_ =	sdelay $0x3  }
0x34: {  	[smem:$0x3FBA] =	sst s10  }
0x35: {  	s10 =	sld [smem:$0x3FB9];
	_ =	sdelay $0x3  }
0x36: {  	p1 =	seq.s32 s10, $0x1;
	s10 =	sld [smem:$0x3FBA];
	_ =	sdelay $0x3  }
0x37: {  	[smem:$0x3FBA] =	sst s10  }
0x38: {  	s10 =	sld [smem:$0x3FBB]  }
0x39: {  	_ = 	snop;
	(pc) =	sbr.ind lr, $3  }
0x3a: {  	_ = 	snop  }
0x3b: {  	_ = 	snop  }
0x3c: {  	p2 =	seq.s32 s10, $0x1;
	s10 =	sld [smem:$0x3FBA]  }
0x3d: {  	_ =	shalt  }
0x3e: {  	_ =	shalt  }
0x3f: {  	_ =	shalt  }
0x40: {  	_ =	shalt  }
0x41: {  	_ =	shalt  }
0x42: {  	_ =	shalt  }
0x43: {  	_ =	shalt  }
0x44: {  	_ =	shalt  }
0x45: {  	_ =	shalt  }
0x46: {  	_ =	shalt  }
0x47: {  	_ =	shalt  }
0x48: {  	_ =	shalt  }
0x49: {  	_ =	shalt  }
0x4a: {  	_ =	shalt  }
0x4b: {  	_ =	shalt  }
0x4c: {  	_ =	shalt  }
0x4d: {  	_ =	shalt  }
0x4e: {  	_ =	shalt  }
0x4f: {  	_ =	shalt  }
0x50: {  	_ =	shalt  }
0x51: {  	_ =	shalt  }
0x52: {  	_ =	shalt  }
0x53: {  	_ =	shalt  }
0x54: {  	_ =	shalt  }
0x55: {  	_ =	shalt  }
0x56: {  	_ =	shalt  }
0x57: {  	_ =	shalt  }
0x58: {  	_ =	shalt  }
0x59: {  	_ =	shalt  }
0x5a: {  	_ =	shalt  }
0x5b: {  	_ =	shalt  }
0x5c: {  	_ =	shalt  }
0x5d: {  	_ =	shalt  }
0x5e: {  	_ =	shalt  }
0x5f: {  	_ =	shalt  }
0x60: {  	_ =	shalt  }
0x61: {  	_ =	shalt  }
0x62: {  	_ =	shalt  }
0x63: {  	_ =	shalt  }
0x64: {  	_ =	shalt  }
0x65: {  	_ =	shalt  }
0x66: {  	_ =	shalt  }
0x67: {  	_ =	shalt  }
0x68: {  	_ =	shalt  }
0x69: {  	_ =	shalt  }
0x6a: {  	_ =	shalt  }
0x6b: {  	_ =	shalt  }
0x6c: {  	_ =	shalt  }
0x6d: {  	_ =	shalt  }
0x6e: {  	_ =	shalt  }
0x6f: {  	_ =	shalt  }
0x70: {  	_ =	shalt  }
0x71: {  	_ =	shalt  }
0x72: {  	_ =	shalt  }
0x73: {  	_ =	shalt  }
0x74: {  	_ =	shalt  }
0x75: {  	_ =	shalt  }
0x76: {  	_ =	shalt  }
0x77: {  	_ =	shalt  }
0x78: {  	_ =	shalt  }
0x79: {  	_ =	shalt  }
0x7a: {  	_ =	shalt  }
0x7b: {  	_ =	shalt  }
0x7c: {  	_ =	shalt  }
0x7d: {  	_ =	shalt  }
0x7e: {  	_ =	shalt  }
0x7f: {  	_ =	shalt  }
0x80: {  	_ =	shalt  }
0x81: {  	_ =	shalt  }
0x82: {  	_ =	shalt  }
0x83: {  	_ =	shalt  }
0x84: {  	_ =	shalt  }
0x85: {  	_ =	shalt  }
0x86: {  	_ =	shalt  }
0x87: {  	_ =	shalt  }
.Lfunc_end0:
.L_simem_size_0:
called_computation_lowered:
.L_overlay_start_0:
0x88: {  	s2 =	sld [smem:$0x3FD9]  }
0x89: {  	s3 =	sld [smem:$0x3FFE];
	_ =	sdelay $0x1  }
0x8a: {  	s1 =	srdreg.scid  }
0x8b: {  	s0 =	sand.u32 $0x1, s1  }
0x8c: {  	s17 =	sshll.u32 s0, $0xA;
	s2 =	sadd.s32 s3, s2  }
0x8d: {  	s2 =	sadd.s32 s2, s17  }
0x8e: {  	[smem:$0x3FC6] =	sst s2  }
0x8f: {  	_ = 	snop  }
0x90: {  	s2 =	sld [smem:$0x3FC8]  }
0x91: {  	s18 =	sld [smem:$0x3FD0];
	(tm) =	ssettm $0x1  }
0x92: {  	s4 =	sld [smem:$0x3FFB];
	_ =	sdelay $0x3  }
0x93: {  	_ =	strace s4  }
0x94: {  	s4 =	sld [smem:$0x3FFC];
	_ =	sdelay $0x3  }
0x95: {  	_ =	strace s4  }
0x96: {  	s4 =	sld [smem:$0x3FFD];
	_ =	sdelay $0x3  }
0x97: {  	_ =	strace s4  }
0x98: {  	_ =	strace $0x8FFFFFFF  }
0x99: {  	s19 =	sld [smem:$0x3FDB];
	_ =	sdelay $0x1  }
0x9a: {  	s5 =	simm.s32 $_scs_section_size  }
0x9b: {  	s6 =	simm.s32 $_size__tile_overlayer_lowered;
	s7 =	simm.s32 $_tile_overlayer_lowered  }
0x9c: {  	s22 =	simm.s32 $0x1BFF;
	s21 =	sshll.u32 s7, $0x1;
	s4 =	sadd.s32 s5, s19  }
0x9d: {  	s8 =	simm.s32 $0x0;
	s20 =	sshll.u32 s6, $0x1;
	s6 =	sadd.s32 s21, s4  }
0x9e: {  	[timem:s8], [sflag:s22] =	dma.local [hbm:s6], s20  }
0x9f: {  	_ =	swait.ge [sflag:s22], s20  }
0xa0: {  	s5 =	ssub.s32 $0x0, s20;
	[sflag:s22] =	ssyncset.done $0x0  }
0xa1: {  	[sflag:s22] =	ssyncadd.s32 s5;
	_ =	sdelay $0x1  }
0xa2: {  	s23 =	simm.s32 $0x1B8B  }
0xa3: {  	_ =	swait.ge [sflag:s23], $0x1  }
0xa4: {  	[sflag:s23] =	ssyncset.done $0x0  }
0xa5: {  	s25 =	simm.s32 $0x1B8E;
	s24 =	sld [smem:$0x3FFE];
	[sflag:s23] =	ssyncadd.s32 $0xFFFFFFFF  }
0xa6: {  	s26 =	simm.s32 $execute0_lowered;
	[smem:$0x3FD2] =	sst s25  }
0xa7: {  	s6 =	sshll.u32 s26, $0x1;
	_ =	strace $0x80000046;
	[dreg:$0x1] =	wrdreg $0xFFFFFFFF  }
0xa8: {  	s28 =	simm.s32 $_size_execute0_lowered;
	s4 =	sadd.s32 s4, s6;
	[dreg:$0x0] =	wrdreg $0x0  }
0xa9: {  	s6 =	sshll.u32 s28, $0x1;
	[dreg:$0x2] =	wrdreg s4  }
0xaa: {  	[dreg:$0x3] =	wrdreg s6  }
0xab: {  	[dreg:$0x4] =	wrdreg $0xC0  }
0xac: {  	_ =	task [dreg:s8], $0x5FFFF  }
0xad: {  	[dreg:$0x1] =	wrdreg $0xFFFFFFFF  }
0xae: {  	[dreg:$0x0] =	wrdreg $0x60  }
0xaf: {  	[dreg:$0x2] =	wrdreg s24  }
0xb0: {  	[dreg:$0x3] =	wrdreg s2  }
0xb1: {  	[dreg:$0x4] =	wrdreg s18  }
0xb2: {  	[dreg:$0x5] =	wrdreg $0xB9000  }
0xb3: {  	[dreg:$0x6] =	wrdreg $0x9  }
0xb4: {  	_ =	task.clear_ibuf [dreg:s8], $0x7FFFF;
	_ =	strace $0x90000046  }
0xb5: {  	s29 =	simm.s32 $0x9;
	_ =	strace $0x80000048  }
0xb6: {  	_ =	swait.ge [sflag:s29], $0x1  }
0xb7: {  	[sflag:s29] =	ssyncadd.s32 $0xFFFFFFFF  }
0xb8: {  	_ =	strace $0x90000048  }
0xb9: {  	_ =	sfence  }
0xba: {  	s30 =	sld [smem:$0x0];
	_ =	sdelay $0x2  }
0xbb: {  	s31 =	sshll.u32 s1, $0xD;
	s1 =	sshrl.u32 s1, $0x2  }
0xbc: {  	s3 =	sand.u32 $0x4000, s31;
	s1 =	sadd.s32 s1, s30  }
0xbd: {  	s0 =	sor.u32 s3, s0;
	s1 =	sshll.u32 s1, $0x11  }
0xbe: {  	s0 =	sor.u32 s1, s0  }
0xbf: {  	s0 =	sadd.s32 $0x8F2B, s0  }
0xc0: {  	[sflag:s0] =	ssyncadd.remote.s32 $0x1  }
0xc1: {  	_ =	sfence.sel $0xFFFF  }
0xc2: {  	[dreg:$0x0] =	wrdreg $0xFFFFFFFF;
	(pc) =	sbr.abs _section_cstart, $3  }
0xc3: {  	[dreg:$0x1] =	wrdreg $0xFFFFFFFF  }
0xc4: {  	_ =	task.clear_ibuf [dreg:s8], $0x2FFFF;
	_ =	strace $0x9FFFFFFF  }
0xc5: {  	(tm) =	ssettm $0x7FFFFFFF  }
tec
execute0_lowered:
.L_overlay_start_1:
0x0: {  	(tag) =	ssettag $0x1  }
0x1: {  	s0 =	rddreg [dreg:$0x0]  }
0x2: {  	s1 =	rddreg [dreg:$0x1]  }
0x3: {  	s10 =	rddreg [dreg:$0x2]  }
0x4: {  	s3 =	srdreg.scid;
	s11 =	stileid.u32  }
0x5: {  	s2 =	rddreg [dreg:$0x3];
	s14 =	simm.s32 $0x9;
	s15 =	simm.s32 $0x50  }
0x6: {  	s16 =	simm.s32 $0x1900;
	s17 =	simm.s32 $0x4100;
	s19 =	simm.s32 $0x6900  }
0x7: {  	s21 =	simm.s32 $0x9100;
	s28 =	simm.s32 $0x6;
	s29 =	simm.s32 $0x7  }
0x8: {  	s30 =	simm.s32 $0x8;
	s31 =	simm.s32 $0x0;
	s7 =	smul.u32 $0x7D000, s11  }
0x9: {  	s9 =	sand.u32 $0x1, s3;
	s4 =	sshll.u32 s11, $0x1;
	s8 =	smul.u32 $0x3E80, s11  }
0xa: {  	s3 =	simm.s32 $0x0;
	s25 =	smul.u32 $0x32000, s11;
	p0 =	sgt.u32 s11, $0x9  }
0xb: {  	s4 =	sor.u32 s9, s4;
	[smem:$0x7FF] =	sst s3;
	s26 =	smul.u32 $0x19000, s9  }
0xc: {  	s6 =	ssub.s32 $0x2, s9;
	s12 =	sshll.u32 @!p0 s11, $0x6;
	s5 =	smul.u32 $0x1900, s4  }
0xd: {  	_ =	strace $0x80000047;
	s22 =	sshrl.u32 s6, $0x1;
	s23 =	sshrl.u32 s7, $0x2  }
0xe: {  	s24 =	smul.u32 $0x19000, s4;
	s4 =	sadd.s32 s1, s8;
	s12 =	sor.u32 @!p0 $0x1C09, s12  }
0xf: {  	s6 =	ssub.s32 s6, s22;
	s13 =	sadd.s32 s23, s2;
	s22 =	simm.s32 $0x1  }
0x10: {  	s23 =	simm.s32 $0x2;
	s5 =	sshrl.u32 s5, $0x3;
	s6 =	smax.u32 s6, $0x1  }
0x11: {  	s7 =	sadd.s32 s10, s24;
	s13 =	sshrl.u32 @!p0 s13, $0x3;
	s24 =	simm.s32 $0x3  }
0x12: {  	s0 =	sadd.s32 s5, s0;
	s8 =	sadd.s32 $0x500, s7;
	s9 =	sadd.s32 $0xA00, s7  }
0x13: {  	s5 =	sadd.s32 $0x400, s0;
	s0 =	sadd.s32 s25, s10;
	s10 =	sadd.s32 $0xF00, s7  }
0x14: {  	s25 =	simm.s32 $0x4;
	s11 =	sadd.s32 s26, s0;
	s26 =	simm.s32 $0x5  }
.LBB2_1:
0x15: {  	[spmem:s13], [sflag:s12] =	dma.local @!p0 [hbm:s4], $0x3E80  }
0x16: {  	s0 =	simm.s32 @!p0 $0x9  }
0x17: {  	_ =	swait.ge @!p0 [sflag:s0], $0x3E80  }
0x18: {  	[sflag:s0] =	ssyncset.done @!p0 $0x0  }
0x19: {  	[sflag:s0] =	ssyncadd.s32 @!p0 $0xFFFFC180  }
0x1a: {  	[tilespmem:s3], [sflag:$0x9] =	stream.linear.gather [hbm4b:s5+s3], $0x1900, $0x38;
	[tilespmem:$0x1F180] =	vst v63  }
0x1b: {  	_ =	swait.ge [sflag:s14], $0x1900  }
0x1c: {  	[sflag:s14] =	ssyncset.done $0x0  }
0x1d: {  	[sflag:s14] =	ssyncadd.s32 $0xFFFFE700  }
0x1e: {  	[bflag:$0x0] =	sbarrier.arrive $0xFFFF  }
0x1f: {  	[tilespmem:s16], [sflag:$0x1] =	stream.indirect.gather [spmem:s2], $0x80, s3, s15, $0xb8;
	[tilespmem:$0x1F180] =	vst v63  }
0x20: {  	_ = 	snop  }
0x21: {  	[tilespmem:s17], [sflag:$0x2] =	stream.indirect.gather [spmem:s2], $0x80, s15, s15, $0xb8;
	[tilespmem:$0x1F180] =	vst v63  }
0x22: {  	s18 =	simm.s32 $0xA0  }
0x23: {  	[tilespmem:s19], [sflag:$0x3] =	stream.indirect.gather [spmem:s2], $0x80, s18, s15, $0xb8;
	[tilespmem:$0x1F180] =	vst v63  }
0x24: {  	s20 =	simm.s32 $0xF0  }
0x25: {  	[tilespmem:s21], [sflag:$0x4] =	stream.indirect.gather [spmem:s2], $0x80, s20, s15, $0xb8;
	[tilespmem:$0x1F180] =	vst v63  }
0x26: {  	_ =	swait.ge [sflag:s22], $0x2800  }
0x27: {  	[sflag:s22] =	ssyncset.done $0x0  }
0x28: {  	[sflag:s22] =	ssyncadd.s32 $0xFFFFD800  }
0x29: {  	[hbm4b:s7+s3] =	stream.linear.scatter [tilespmem:s16], [sflag:$0x5], $0x2800, $0x38;
	[tilespmem:$0x1F180] =	vst v63  }
0x2a: {  	_ =	swait.ge [sflag:s23], $0x2800  }
0x2b: {  	[sflag:s23] =	ssyncset.done $0x0  }
0x2c: {  	[sflag:s23] =	ssyncadd.s32 $0xFFFFD800  }
0x2d: {  	[hbm4b:s8+s3] =	stream.linear.scatter [tilespmem:s17], [sflag:$0x6], $0x2800, $0x38;
	[tilespmem:$0x1F180] =	vst v63  }
0x2e: {  	_ =	swait.ge [sflag:s24], $0x2800  }
0x2f: {  	[sflag:s24] =	ssyncset.done $0x0  }
0x30: {  	[sflag:s24] =	ssyncadd.s32 $0xFFFFD800  }
0x31: {  	[hbm4b:s9+s3] =	stream.linear.scatter [tilespmem:s19], [sflag:$0x7], $0x2800, $0x38;
	[tilespmem:$0x1F180] =	vst v63  }
0x32: {  	_ =	swait.ge [sflag:s25], $0x2800  }
0x33: {  	[sflag:s25] =	ssyncset.done $0x0  }
0x34: {  	[sflag:s25] =	ssyncadd.s32 $0xFFFFD800  }
0x35: {  	[hbm4b:s10+s3] =	stream.linear.scatter [tilespmem:s21], [sflag:$0x8], $0x2800, $0x38;
	[tilespmem:$0x1F180] =	vst v63  }
0x36: {  	_ =	swait.ge [sflag:s26], $0x2800  }
0x37: {  	[sflag:s26] =	ssyncset.done $0x0  }
0x38: {  	s1 =	simm.s32 $0x140;
	[sflag:s26] =	ssyncadd.s32 $0xFFFFD800  }
0x39: {  	[tilespmem:s16], [sflag:$0x1] =	stream.indirect.gather [spmem:s2], $0x80, s1, s15, $0xb8;
	[tilespmem:$0x1F180] =	vst v63  }
0x3a: {  	_ =	swait.ge [sflag:s28], $0x2800  }
0x3b: {  	[sflag:s28] =	ssyncset.done $0x0  }
0x3c: {  	s18 =	simm.s32 $0x190;
	[sflag:s28] =	ssyncadd.s32 $0xFFFFD800  }
0x3d: {  	[tilespmem:s17], [sflag:$0x2] =	stream.indirect.gather [spmem:s2], $0x80, s18, s15, $0xb8;
	[tilespmem:$0x1F180] =	vst v63  }
0x3e: {  	_ =	swait.ge [sflag:s29], $0x2800  }
0x3f: {  	[sflag:s29] =	ssyncset.done $0x0  }
0x40: {  	s20 =	simm.s32 $0x1E0;
	[sflag:s29] =	ssyncadd.s32 $0xFFFFD800  }
0x41: {  	[tilespmem:s19], [sflag:$0x3] =	stream.indirect.gather [spmem:s2], $0x80, s20, s15, $0xb8;
	[tilespmem:$0x1F180] =	vst v63  }
0x42: {  	_ =	swait.ge [sflag:s30], $0x2800  }
0x43: {  	[sflag:s30] =	ssyncset.done $0x0  }
0x44: {  	s1 =	simm.s32 $0x230;
	[sflag:s30] =	ssyncadd.s32 $0xFFFFD800  }
0x45: {  	[tilespmem:s21], [sflag:$0x4] =	stream.indirect.gather [spmem:s2], $0x80, s1, s15, $0xb8;
	[tilespmem:$0x1F180] =	vst v63  }
0x46: {  	_ =	swait.ge [sflag:s22], $0x2800  }
0x47: {  	s0 =	sadd.s32 $0x0, s11;
	[sflag:s22] =	ssyncset.done $0x0  }
0x48: {  	s1 =	sadd.s32 $0x1400, s0;
	[sflag:s22] =	ssyncadd.s32 $0xFFFFD800  }
0x49: {  	[hbm4b:s1+s3] =	stream.linear.scatter [tilespmem:s16], [sflag:$0x5], $0x2800, $0x38;
	[tilespmem:$0x1F180] =	vst v63  }
0x4a: {  	_ =	swait.ge [sflag:s23], $0x2800  }
0x4b: {  	[sflag:s23] =	ssyncset.done $0x0  }
0x4c: {  	s18 =	sadd.s32 $0x1900, s0;
	[sflag:s23] =	ssyncadd.s32 $0xFFFFD800  }
0x4d: {  	[hbm4b:s18+s3] =	stream.linear.scatter [tilespmem:s17], [sflag:$0x6], $0x2800, $0x38;
	[tilespmem:$0x1F180] =	vst v63  }
0x4e: {  	_ =	swait.ge [sflag:s24], $0x2800  }
0x4f: {  	[sflag:s24] =	ssyncset.done $0x0  }
0x50: {  	s20 =	sadd.s32 $0x1E00, s0;
	[sflag:s24] =	ssyncadd.s32 $0xFFFFD800  }
0x51: {  	[hbm4b:s20+s3] =	stream.linear.scatter [tilespmem:s19], [sflag:$0x7], $0x2800, $0x38;
	[tilespmem:$0x1F180] =	vst v63  }
0x52: {  	_ =	swait.ge [sflag:s25], $0x2800  }
0x53: {  	s1 =	simm.s32 $0x1400;
	[sflag:s25] =	ssyncset.done $0x0  }
0x54: {  	s18 =	sadd.s32 $0x2300, s0;
	s0 =	simm.s32 $0x370;
	[sflag:s25] =	ssyncadd.s32 $0xFFFFD800  }
.LBB2_2:
0x55: {  	[hbm4b:s18+s3] =	stream.linear.scatter [tilespmem:s21], [sflag:$0x8], $0x2800, $0x38;
	[tilespmem:$0x1F180] =	vst v63  }
0x56: {  	s18 =	smov.u32 s1  }
0x57: {  	p1 =	sne.s32 s1, $0x16800;
	s1 =	sadd.s32 $0x1400, s1;
	_ =	swait.ge [sflag:s26], $0x2800  }
0x58: {  	[sflag:s26] =	ssyncset.done $0x0  }
0x59: {  	s20 =	sadd.s32 $0xFFFFFF10, s0;
	[sflag:s26] =	ssyncadd.s32 $0xFFFFD800  }
0x5a: {  	[tilespmem:s16], [sflag:$0x1] =	stream.indirect.gather [spmem:s2], $0x80, s20, s15, $0xb8;
	[tilespmem:$0x1F180] =	vst v63  }
0x5b: {  	_ =	swait.ge [sflag:s28], $0x2800  }
0x5c: {  	[sflag:s28] =	ssyncset.done $0x0  }
0x5d: {  	s20 =	sadd.s32 $0xFFFFFF60, s0;
	[sflag:s28] =	ssyncadd.s32 $0xFFFFD800  }
0x5e: {  	[tilespmem:s17], [sflag:$0x2] =	stream.indirect.gather [spmem:s2], $0x80, s20, s15, $0xb8;
	[tilespmem:$0x1F180] =	vst v63  }
0x5f: {  	_ =	swait.ge [sflag:s29], $0x2800  }
0x60: {  	[sflag:s29] =	ssyncset.done $0x0  }
0x61: {  	s20 =	sadd.s32 $0xFFFFFFB0, s0;
	[sflag:s29] =	ssyncadd.s32 $0xFFFFD800  }
0x62: {  	[tilespmem:s19], [sflag:$0x3] =	stream.indirect.gather [spmem:s2], $0x80, s20, s15, $0xb8;
	[tilespmem:$0x1F180] =	vst v63  }
0x63: {  	_ =	swait.ge [sflag:s30], $0x2800  }
0x64: {  	[sflag:s30] =	ssyncset.done $0x0  }
0x65: {  	[sflag:s30] =	ssyncadd.s32 $0xFFFFD800  }
0x66: {  	[tilespmem:s21], [sflag:$0x4] =	stream.indirect.gather [spmem:s2], $0x80, s0, s15, $0xb8;
	[tilespmem:$0x1F180] =	vst v63  }
0x67: {  	_ =	swait.ge [sflag:s22], $0x2800  }
0x68: {  	s18 =	sadd.s32 s18, s11;
	[sflag:s22] =	ssyncset.done $0x0  }
0x69: {  	s20 =	sadd.s32 $0x1400, s18;
	[sflag:s22] =	ssyncadd.s32 $0xFFFFD800  }
0x6a: {  	[hbm4b:s20+s3] =	stream.linear.scatter [tilespmem:s16], [sflag:$0x5], $0x2800, $0x38;
	[tilespmem:$0x1F180] =	vst v63  }
0x6b: {  	_ =	swait.ge [sflag:s23], $0x2800  }
0x6c: {  	[sflag:s23] =	ssyncset.done $0x0  }
0x6d: {  	s20 =	sadd.s32 $0x1900, s18;
	[sflag:s23] =	ssyncadd.s32 $0xFFFFD800  }
0x6e: {  	[hbm4b:s20+s3] =	stream.linear.scatter [tilespmem:s17], [sflag:$0x6], $0x2800, $0x38;
	[tilespmem:$0x1F180] =	vst v63  }
0x6f: {  	_ =	swait.ge [sflag:s24], $0x2800  }
0x70: {  	[sflag:s24] =	ssyncset.done $0x0  }
.Ltmp0:
0x71: {  	s20 =	sadd.s32 $0x1E00, s18;
	[sflag:s24] =	ssyncadd.s32 $0xFFFFD800;
	(pc) =	sbr.rel @p1 .LBB2_2-.Ltmp0, $4  }
0x72: {  	[hbm4b:s20+s3] =	stream.linear.scatter [tilespmem:s19], [sflag:$0x7], $0x2800, $0x38;
	[tilespmem:$0x1F180] =	vst v63  }
0x73: {  	_ =	swait.ge [sflag:s25], $0x2800  }
0x74: {  	[sflag:s25] =	ssyncset.done $0x0  }
0x75: {  	s0 =	sadd.s32 $0x140, s0;
	s18 =	sadd.s32 $0x2300, s18;
	[sflag:s25] =	ssyncadd.s32 $0xFFFFD800  }
0x76: {  	[hbm4b:s18+s3] =	stream.linear.scatter [tilespmem:s21], [sflag:$0x8], $0x2800, $0x38;
	[tilespmem:$0x1F180] =	vst v63  }
0x77: {  	_ =	swait.ge [sflag:s26], $0x2800  }
0x78: {  	[sflag:s26] =	ssyncset.done $0x0  }
0x79: {  	[sflag:s26] =	ssyncadd.s32 $0xFFFFD800  }
0x7a: {  	_ =	swait.ge [sflag:s28], $0x2800  }
0x7b: {  	[sflag:s28] =	ssyncset.done $0x0  }
0x7c: {  	s31 =	sadd.s32 $0x1, s31;
	[sflag:s28] =	ssyncadd.s32 $0xFFFFD800  }
0x7d: {  	p1 =	sne.s32 s31, s6;
	_ =	swait.ge [sflag:s29], $0x2800  }
.Ltmp1:
0x7e: {  	[sflag:s29] =	ssyncset.done $0x0;
	(pc) =	sbr.rel @p1 .LBB2_1-.Ltmp1, $4  }
0x7f: {  	[sflag:s29] =	ssyncadd.s32 $0xFFFFD800  }
0x80: {  	_ =	swait.ge [sflag:s30], $0x2800  }
0x81: {  	[sflag:s30] =	ssyncset.done $0x0  }
0x82: {  	[sflag:s30] =	ssyncadd.s32 $0xFFFFD800  }
0x83: {  	_ =	sfence.sel $0x180000  }
0x84: {  	[bflag:$0x0] =	sbarrier.arrive $0xFFFF  }
0x85: {  	_ =	strace $0x90000047  }
0x86: {  	s0 =	stileid.u32;
	[bflag:$0x2] =	sbarrier.arrive $0xFFFF  }
0x87: {  	p0 =	sne.s32 s0, $0x0;
	s0 =	rddreg [dreg:$0x4]  }
0x88: {  	s0 =	sadd.s32 @!p0 $0x100000, s0  }
0x89: {  	[sflag:s0] =	ssyncadd.tile.s32 @!p0 $0x1;
	_ =	shalt  }
.Lfunc_end2:
_tile_overlayer_lowered:
.L_overlay_start_2:
0x8a: {  	(tag) =	ssettag $0x2  }
0x8b: {  	s0 =	rddreg [dreg:$0x0];
	s2 =	stileid.u32  }
0x8c: {  	s1 =	rddreg [dreg:$0x1];
	p0 =	sne.s32 s2, $0x0  }
0x8d: {  	s3 =	rddreg [dreg:$0x2];
	[bflag:$0x3] =	sbarrier.arrive $0xFFFF;
	s2 =	simm.s32 @!p0 $0x1C09  }
0x8e: {  	[timem:s3], [sflag:s2] =	dma.local @!p0 [hbm:s0], s1  }
0x8f: {  	s0 =	simm.s32 @!p0 $0x9  }
0x90: {  	_ =	swait.ge @!p0 [sflag:s0], s1  }
0x91: {  	s1 =	ssub.s32 @!p0 $0x0, s1;
	[sflag:s0] =	ssyncset.done @!p0 $0x0  }
0x92: {  	[sflag:s0] =	ssyncadd.s32 @!p0 s1  }
0x93: {  	[bflag:$0x3] =	sbarrier.arrive $0xFFFF  }
0x94: {  	_ =	shalt  }

</sc_bundles>
